<compile_context>
chip_gen: v7x
topology: tpu7x:2x2x1
jax: 0.10.2.dev20260603
libtpu: 0.0.44.dev20260713+nightly
codegen_flags: <defaults>
</compile_context>

<pallas_src>
import functools

import jax
import jax.numpy as jnp
from jax import lax
from jax.experimental import pallas as pl
from jax.experimental.pallas import tpu as pltpu
from jax.experimental.pallas import tpu_sc as plsc

_NUM_POS = 1500
_DIM = 1024

_NC = 2
_NS = 16
_NW = _NC * _NS

_ROWS_PER_W = 48

_mesh = plsc.VectorSubcoreMesh(core_axis_name="c", subcore_axis_name="s")


@functools.partial(
    pl.kernel,
    mesh=_mesh,
    out_type=jax.ShapeDtypeStruct((_NUM_POS, _DIM), jnp.float32),
    scratch_types=[
        pltpu.VMEM((_ROWS_PER_W, _DIM), jnp.float32),
        pltpu.VMEM((16,), jnp.int32),
        pltpu.SemaphoreType.DMA,
    ],
)
def _copy_kernel(w_hbm, out_hbm, buf, idx_ref, sem):
    wid = lax.axis_index("s") * _NC + lax.axis_index("c")
    base = wid * _ROWS_PER_W

    @pl.when(wid < _NW - 1)
    def _():
        pltpu.sync_copy(w_hbm.at[pl.ds(base, _ROWS_PER_W), :], buf)
        pltpu.sync_copy(buf, out_hbm.at[pl.ds(base, _ROWS_PER_W), :])

    @pl.when(wid == _NW - 1)
    def _():
        idx_ref[...] = jnp.minimum(
            base + lax.iota(jnp.int32, 16), _NUM_POS - 1)
        pltpu.async_copy(
            w_hbm.at[idx_ref], buf.at[pl.ds(0, 16), :], sem).wait()
        pltpu.async_copy(
            buf.at[pl.ds(0, 16), :], out_hbm.at[idx_ref], sem).wait()


def kernel(input_ids, weight):
    del input_ids
    return _copy_kernel(weight)

# --- scband reference (transcript-rebuilt; emitter-appended) ---
"""Pipeline reference for scband-flax-whisper-positional-embedding-9010841387237 (READ-ONLY COPY).

The authoritative reference and input builder live on the scoring server;
editing this copy changes nothing except your own understanding.
"""

import jax, jax.numpy as jnp
import numpy as np

NUM_POSITIONS = 1500
EMBEDDING_DIM = 1024

def setup_inputs(seed: int = 0) -> dict:
    key = jax.random.key(seed)
    k1, k2 = jax.random.split(key)
    input_ids = jax.random.randint(k1, (4, 1500), 0, 51865, dtype=jnp.int64)
    weight = jax.random.normal(k2, (NUM_POSITIONS, EMBEDDING_DIM), dtype=jnp.float32) * 0.02
    return {"input_ids": input_ids, "weight": weight}

def reference(input_ids, weight):
    # Faithful translation of FlaxWhisperPositionalEmbedding.__call__ with past_key_values_length=0
    gather_indices = jnp.arange(jnp.shape(input_ids)[-1], step=1) + 0
    return jnp.take(weight, gather_indices, axis=0)

if __name__ == "__main__":
    import jax
    _d = setup_inputs()
    print(jax.jit(kernel)(*tuple(_d.values())))

</pallas_src>

<mosaic_0001>
#map = affine_map<(d0, d1) -> (0, 0)>
module attributes {stable_mosaic.version = 14 : i64} {
  func.func @_copy_kernel(%arg0: i32, %arg1: i32, %arg2: memref<1500x1024xf32, #tpu.memory_space<hbm>>, %arg3: memref<1500x1024xf32, #tpu.memory_space<hbm>>, %arg4: memref<48x1024xf32, #tpu.memory_space<vmem>>, %arg5: memref<16xi32, #tpu.memory_space<vmem>>, %arg6: memref<!tpu.dma_semaphore, #tpu.memory_space<semaphore_mem>>) attributes {dimension_semantics = [#tpu.dimension_semantics<core_parallel>, #tpu.dimension_semantics<subcore_parallel>], iteration_bounds = array<i64: 2, 16>, scalar_prefetch = 0 : i64, scratch_operands = 3 : i64, tpu.core_type = #tpu.core_type<sc_vector_subcore>, window_params = [{transform_indices = #map}, {transform_indices = #map}]} {
    %mul3A = arith.constant 2 : i32
    %mul3A_0 = arith.muli %arg1, %mul3A : i32
    %add3A = arith.addi %mul3A_0, %arg0 : i32
    %mul3A_1 = arith.constant 48 : i32
    %mul3A_2 = arith.muli %add3A, %mul3A_1 : i32
    %lt3A = arith.constant 31 : i32
    %lt3A_3 = arith.cmpi slt, %add3A, %lt3A : i32
    %convert_element_type3A = arith.extui %lt3A_3 : i1 to i32
    %cond3A = arith.constant 0 : i32
    %cond3A_4 = arith.cmpi ne, %convert_element_type3A, %cond3A : i32
    scf.if %cond3A_4 {
      "tpu.region"() ({
        %run_scoped3A = tpu.sem_alloc : memref<!tpu.dma_semaphore, #tpu.memory_space<semaphore_mem>>
        %dma_start3A = arith.constant 0 : i32
        %dma_start3A_9 = tpu.memref_slice %arg2[%mul3A_2, %dma_start3A] : memref<1500x1024xf32, #tpu.memory_space<hbm>> -> memref<48x1024xf32, #tpu.memory_space<hbm>>
        %dma_start3A_10 = arith.constant 0 : i32
        %dma_start3A_11 = tpu.memref_slice %arg2[%mul3A_2, %dma_start3A_10] : memref<1500x1024xf32, #tpu.memory_space<hbm>> -> memref<48x1024xf32, #tpu.memory_space<hbm>>
        tpu.enqueue_dma source(%dma_start3A_11 : memref<48x1024xf32, #tpu.memory_space<hbm>>) target(%arg4 : memref<48x1024xf32, #tpu.memory_space<vmem>>) target_semaphore(%run_scoped3A : memref<!tpu.dma_semaphore, #tpu.memory_space<semaphore_mem>>)
        %dma_wait3A = arith.constant 0 : i32
        %dma_wait3A_12 = tpu.memref_slice %arg2[%mul3A_2, %dma_wait3A] : memref<1500x1024xf32, #tpu.memory_space<hbm>> -> memref<48x1024xf32, #tpu.memory_space<hbm>>
        %dma_wait3A_13 = arith.constant 0 : i32
        %dma_wait3A_14 = tpu.memref_slice %arg2[%mul3A_2, %dma_wait3A_13] : memref<1500x1024xf32, #tpu.memory_space<hbm>> -> memref<48x1024xf32, #tpu.memory_space<hbm>>
        tpu.wait_dma2 semaphore(%run_scoped3A : memref<!tpu.dma_semaphore, #tpu.memory_space<semaphore_mem>>) src(%dma_wait3A_14 : memref<48x1024xf32, #tpu.memory_space<hbm>>) dst(%arg4 : memref<48x1024xf32, #tpu.memory_space<vmem>>)
        tpu.yield
      }) : () -> ()
      "tpu.region"() ({
        %run_scoped3A = tpu.sem_alloc : memref<!tpu.dma_semaphore, #tpu.memory_space<semaphore_mem>>
        %dma_start3A = arith.constant 0 : i32
        %dma_start3A_9 = tpu.memref_slice %arg3[%mul3A_2, %dma_start3A] : memref<1500x1024xf32, #tpu.memory_space<hbm>> -> memref<48x1024xf32, #tpu.memory_space<hbm>>
        %dma_start3A_10 = arith.constant 0 : i32
        %dma_start3A_11 = tpu.memref_slice %arg3[%mul3A_2, %dma_start3A_10] : memref<1500x1024xf32, #tpu.memory_space<hbm>> -> memref<48x1024xf32, #tpu.memory_space<hbm>>
        tpu.enqueue_dma source(%arg4 : memref<48x1024xf32, #tpu.memory_space<vmem>>) target(%dma_start3A_11 : memref<48x1024xf32, #tpu.memory_space<hbm>>) target_semaphore(%run_scoped3A : memref<!tpu.dma_semaphore, #tpu.memory_space<semaphore_mem>>)
        %dma_wait3A = arith.constant 0 : i32
        %dma_wait3A_12 = tpu.memref_slice %arg3[%mul3A_2, %dma_wait3A] : memref<1500x1024xf32, #tpu.memory_space<hbm>> -> memref<48x1024xf32, #tpu.memory_space<hbm>>
        %dma_wait3A_13 = arith.constant 0 : i32
        %dma_wait3A_14 = tpu.memref_slice %arg3[%mul3A_2, %dma_wait3A_13] : memref<1500x1024xf32, #tpu.memory_space<hbm>> -> memref<48x1024xf32, #tpu.memory_space<hbm>>
        tpu.wait_dma2 semaphore(%run_scoped3A : memref<!tpu.dma_semaphore, #tpu.memory_space<semaphore_mem>>) src(%arg4 : memref<48x1024xf32, #tpu.memory_space<vmem>>) dst(%dma_wait3A_14 : memref<48x1024xf32, #tpu.memory_space<hbm>>)
        tpu.yield
      }) : () -> ()
    } else {
    }
    %eq3A = arith.constant 31 : i32
    %eq3A_5 = arith.cmpi eq, %add3A, %eq3A : i32
    %convert_element_type3A_6 = arith.extui %eq3A_5 : i1 to i32
    %cond3A_7 = arith.constant 0 : i32
    %cond3A_8 = arith.cmpi ne, %convert_element_type3A_6, %cond3A_7 : i32
    scf.if %cond3A_8 {
      %iota3A = tpu.iota {dimensions = array<i32: 0>} : vector<16xi32>
      %add3A_9 = vector.broadcast %mul3A_2 : i32 to vector<16xi32>
      %add3A_10 = arith.addi %add3A_9, %iota3A : vector<16xi32>
      %min3A = arith.constant 1499 : i32
      %min3A_11 = vector.broadcast %min3A : i32 to vector<16xi32>
      %min3A_12 = arith.minsi %add3A_10, %min3A_11 : vector<16xi32>
      %swap3A = arith.constant 0 : index
      %swap3A_13 = tpu.vector_load %arg5[%swap3A] {strides = array<i32>} : memref<16xi32, #tpu.memory_space<vmem>>, vector<16xi32>,
      %swap3A_14 = vector.shape_cast %swap3A_13 : vector<16xi32> to vector<16xi32>
      %swap3A_15 = vector.shape_cast %min3A_12 : vector<16xi32> to vector<16xi32>
      tpu.vector_store %arg5[%swap3A], %swap3A_15 {strides = array<i32>} : memref<16xi32, #tpu.memory_space<vmem>>, vector<16xi32>,
      %dma_start3A = arith.constant 0 : i32
      %dma_start3A_16 = arith.constant 0 : i32
      %dma_start3A_17 = tpu.memref_slice %arg4[%dma_start3A, %dma_start3A_16] : memref<48x1024xf32, #tpu.memory_space<vmem>> -> memref<16x1024xf32, #tpu.memory_space<vmem>>
      %dma_start3A_18 = arith.constant 0 : i32
      %dma_start3A_19 = arith.constant 0 : i32
      %dma_start3A_20 = tpu.memref_slice %arg2[%dma_start3A_18, %dma_start3A_19] : memref<1500x1024xf32, #tpu.memory_space<hbm>> -> memref<1500x1024xf32, #tpu.memory_space<hbm>>
      tpu.enqueue_indirect_dma source(%dma_start3A_20 : memref<1500x1024xf32, #tpu.memory_space<hbm>>) target(%dma_start3A_17 : memref<16x1024xf32, #tpu.memory_space<vmem>>) offsets(%arg5 : memref<16xi32, #tpu.memory_space<vmem>>) semaphore(%arg6 : memref<!tpu.dma_semaphore, #tpu.memory_space<semaphore_mem>>)
      %dma_wait3A = arith.constant 0 : i32
      %dma_wait3A_21 = arith.constant 0 : i32
      %dma_wait3A_22 = tpu.memref_slice %arg4[%dma_wait3A, %dma_wait3A_21] : memref<48x1024xf32, #tpu.memory_space<vmem>> -> memref<16x1024xf32, #tpu.memory_space<vmem>>
      %dma_wait3A_23 = arith.constant 0 : i32
      %dma_wait3A_24 = arith.constant 0 : i32
      %dma_wait3A_25 = tpu.memref_slice %arg2[%dma_wait3A_23, %dma_wait3A_24] : memref<1500x1024xf32, #tpu.memory_space<hbm>> -> memref<1500x1024xf32, #tpu.memory_space<hbm>>
      tpu.wait_indirect_dma semaphore(%arg6 : memref<!tpu.dma_semaphore, #tpu.memory_space<semaphore_mem>>) src(%dma_wait3A_25 : memref<1500x1024xf32, #tpu.memory_space<hbm>>) dst(%dma_wait3A_22 : memref<16x1024xf32, #tpu.memory_space<vmem>>)
      %dma_start3A_26 = arith.constant 0 : i32
      %dma_start3A_27 = arith.constant 0 : i32
      %dma_start3A_28 = tpu.memref_slice %arg4[%dma_start3A_26, %dma_start3A_27] : memref<48x1024xf32, #tpu.memory_space<vmem>> -> memref<16x1024xf32, #tpu.memory_space<vmem>>
      %dma_start3A_29 = arith.constant 0 : i32
      %dma_start3A_30 = arith.constant 0 : i32
      %dma_start3A_31 = tpu.memref_slice %arg3[%dma_start3A_29, %dma_start3A_30] : memref<1500x1024xf32, #tpu.memory_space<hbm>> -> memref<1500x1024xf32, #tpu.memory_space<hbm>>
      tpu.enqueue_indirect_dma source(%dma_start3A_28 : memref<16x1024xf32, #tpu.memory_space<vmem>>) target(%dma_start3A_31 : memref<1500x1024xf32, #tpu.memory_space<hbm>>) offsets(%arg5 : memref<16xi32, #tpu.memory_space<vmem>>) semaphore(%arg6 : memref<!tpu.dma_semaphore, #tpu.memory_space<semaphore_mem>>)
      %dma_wait3A_32 = arith.constant 0 : i32
      %dma_wait3A_33 = arith.constant 0 : i32
      %dma_wait3A_34 = tpu.memref_slice %arg4[%dma_wait3A_32, %dma_wait3A_33] : memref<48x1024xf32, #tpu.memory_space<vmem>> -> memref<16x1024xf32, #tpu.memory_space<vmem>>
      %dma_wait3A_35 = arith.constant 0 : i32
      %dma_wait3A_36 = arith.constant 0 : i32
      %dma_wait3A_37 = tpu.memref_slice %arg3[%dma_wait3A_35, %dma_wait3A_36] : memref<1500x1024xf32, #tpu.memory_space<hbm>> -> memref<1500x1024xf32, #tpu.memory_space<hbm>>
      tpu.wait_indirect_dma semaphore(%arg6 : memref<!tpu.dma_semaphore, #tpu.memory_space<semaphore_mem>>) src(%dma_wait3A_34 : memref<16x1024xf32, #tpu.memory_space<vmem>>) dst(%dma_wait3A_37 : memref<1500x1024xf32, #tpu.memory_space<hbm>>)
    } else {
    }
    return
  }
}

</mosaic_0001>

<sc_bundles>
// kernel: kernel.3.cloned.1.call-start
scs
__scs_entry_jumppad:
0x0: {  	(pc) =	sbr.rel $0x88, $3  }
0x1: {  	(tag) =	ssettag $0x0;
	lr =	simm.s32 $0x1  }
0x2: {  	[smem:$0x3FA0] =	sst lr;
	_ =	strace $0xD0000000  }
0x3: {  	_ = 	snop  }
0x4: {  	_ = 	snop  }
0x5: {  	_ = 	snop  }
0x6: {  	_ = 	snop  }
0x7: {  	_ = 	snop  }
__scs_overlays_trampoline_lowered:
0x8: {  	[smem:$0x3FAF] =	sst s0  }
0x9: {  	[smem:$0x3FB0] =	sst s1  }
0xa: {  	[smem:$0x3FB1] =	sst s2  }
0xb: {  	[smem:$0x3FB2] =	sst s3  }
0xc: {  	[smem:$0x3FB3] =	sst s4  }
0xd: {  	[smem:$0x3FB4] =	sst s5  }
0xe: {  	[smem:$0x3FB5] =	sst s6  }
0xf: {  	[smem:$0x3FB6] =	sst s7  }
0x10: {  	[smem:$0x3FB7] =	sst s8  }
0x11: {  	[smem:$0x3FB8] =	sst s9;
	s0 =	simm.s32 @!p0 $0x0  }
0x12: {  	s1 =	sld [smem:$0x3F9E];
	s0 =	simm.s32 @p0 $0x1  }
0x13: {  	[smem:$0x3FB9] =	sst s0;
	s0 =	simm.s32 @!p1 $0x0  }
0x14: {  	s2 =	sld [smem:$0x3F9D];
	s0 =	simm.s32 @p1 $0x1  }
0x15: {  	[smem:$0x3FBA] =	sst s0;
	s0 =	simm.s32 @!p2 $0x0  }
0x16: {  	s3 =	sld [smem:$0x3FDB];
	s0 =	simm.s32 @p2 $0x1  }
0x17: {  	s4 =	simm.s32 $0x1BF5;
	[smem:$0x3FBC] =	sst s0  }
0x18: {  	s0 =	sld [smem:$0x3F9F];
	_ =	swait.ge [sflag:s4], $0x0  }
0x19: {  	s7 =	sld [smem:$0x3FA0]  }
0x1a: {  	s8 =	sadd.s32 $0xFFFFE003, lr  }
0x1b: {  	s9 =	sadd.s32 $0xFFFFFEF7, lr;
	s5 =	simm.s32 $0xFFFFFFFF;
	p2 =	slt.u32 s8, $0xFFFFF086  }
0x1c: {  	p1 =	slt.u32 s9, $0xF7A;
	s5 =	simm.s32 @!p2 $0x0  }
0x1d: {  	s5 =	simm.s32 @p1 $0x1;
	p0 =	seq.s32 s7, s2  }
0x1e: {  	s7 =	smul.u32 @!p0 $0xF7A, s2;
	p2 =	seq.s32 @!p0 s5, $0x0  }
0x1f: {  	s9 =	smul.u32 $0xF7A, s1;
	s8 =	simm.s32 @!p0 $0x1BF5;
	p2 =	por !p2, p0  }
0x20: {  	[sflag:s8] =	ssyncset.s32 @!p0 $0xFFFFF086;
	s6 =	sadd.s32 @!p0 s3, s7;
	s7 =	simm.s32 @!p0 $0x108  }
0x21: {  	s3 =	sadd.s32 s3, s9;
	s6 =	sadd.s32 @!p0 $0x88, s6;
	s7 =	simm.s32 @p2 $0x1082  }
0x22: {  	[simem:s7], [sflag:s8] =	dma.local @!p0 [hbm:s6], $0xF7A  }
0x23: {  	s9 =	sor.u32 $0xD0000000, s2;
	s6 =	simm.s32 $0x108;
	_ =	swait.ge @!p0 [sflag:s8], $0x0  }
0x24: {  	s3 =	sadd.s32 $0x88, s3;
	s6 =	simm.s32 @!p1 $0x1082;
	[sflag:s4] =	ssyncset.s32 $0xFFFFF086  }
0x25: {  	[simem:s6], [sflag:s4] =	dma.local [hbm:s3], $0xF7A  }
0x26: {  	[smem:$0x3FA0] =	sst s1;
	(tag) =	ssettag s2;
	_ =	strace s9  }
0x27: {  	s1 =	sld [smem:$0x3FB0]  }
0x28: {  	s2 =	sld [smem:$0x3FB1]  }
0x29: {  	s4 =	sld [smem:$0x3FB3]  }
0x2a: {  	p0 =	seq.s32 s5, $0x0;
	s5 =	sld [smem:$0x3FB4]  }
0x2b: {  	s6 =	sld [smem:$0x3FB5]  }
0x2c: {  	s7 =	sld [smem:$0x3FB6]  }
0x2d: {  	s3 =	simm.s32 $0x108;
	s8 =	sld [smem:$0x3FB7]  }
0x2e: {  	s3 =	simm.s32 @!p0 $0x1082;
	s9 =	sld [smem:$0x3FB8]  }
0x2f: {  	lr =	sadd.s32 s0, s3;
	s0 =	sld [smem:$0x3FAF]  }
0x30: {  	s3 =	sld [smem:$0x3FB2]  }
0x31: {  	[smem:$0x3FBB] =	sst s10  }
0x32: {  	s10 =	sld [smem:$0x3FB9];
	_ =	sdelay $0x3  }
0x33: {  	p0 =	seq.s32 s10, $0x1;
	s10 =	sld [smem:$0x3FBB];
	_ =	sdelay $0x3  }
0x34: {  	[smem:$0x3FBB] =	sst s10  }
0x35: {  	s10 =	sld [smem:$0x3FBA];
	_ =	sdelay $0x3  }
0x36: {  	p1 =	seq.s32 s10, $0x1;
	s10 =	sld [smem:$0x3FBB];
	_ =	sdelay $0x3  }
0x37: {  	[smem:$0x3FBB] =	sst s10  }
0x38: {  	s10 =	sld [smem:$0x3FBC]  }
0x39: {  	_ = 	snop;
	(pc) =	sbr.ind lr, $3  }
0x3a: {  	_ = 	snop  }
0x3b: {  	_ = 	snop  }
0x3c: {  	p2 =	seq.s32 s10, $0x1;
	s10 =	sld [smem:$0x3FBB]  }
0x3d: {  	_ =	shalt  }
0x3e: {  	_ =	shalt  }
0x3f: {  	_ =	shalt  }
0x40: {  	_ =	shalt  }
0x41: {  	_ =	shalt  }
0x42: {  	_ =	shalt  }
0x43: {  	_ =	shalt  }
0x44: {  	_ =	shalt  }
0x45: {  	_ =	shalt  }
0x46: {  	_ =	shalt  }
0x47: {  	_ =	shalt  }
0x48: {  	_ =	shalt  }
0x49: {  	_ =	shalt  }
0x4a: {  	_ =	shalt  }
0x4b: {  	_ =	shalt  }
0x4c: {  	_ =	shalt  }
0x4d: {  	_ =	shalt  }
0x4e: {  	_ =	shalt  }
0x4f: {  	_ =	shalt  }
0x50: {  	_ =	shalt  }
0x51: {  	_ =	shalt  }
0x52: {  	_ =	shalt  }
0x53: {  	_ =	shalt  }
0x54: {  	_ =	shalt  }
0x55: {  	_ =	shalt  }
0x56: {  	_ =	shalt  }
0x57: {  	_ =	shalt  }
0x58: {  	_ =	shalt  }
0x59: {  	_ =	shalt  }
0x5a: {  	_ =	shalt  }
0x5b: {  	_ =	shalt  }
0x5c: {  	_ =	shalt  }
0x5d: {  	_ =	shalt  }
0x5e: {  	_ =	shalt  }
0x5f: {  	_ =	shalt  }
0x60: {  	_ =	shalt  }
0x61: {  	_ =	shalt  }
0x62: {  	_ =	shalt  }
0x63: {  	_ =	shalt  }
0x64: {  	_ =	shalt  }
0x65: {  	_ =	shalt  }
0x66: {  	_ =	shalt  }
0x67: {  	_ =	shalt  }
0x68: {  	_ =	shalt  }
0x69: {  	_ =	shalt  }
0x6a: {  	_ =	shalt  }
0x6b: {  	_ =	shalt  }
0x6c: {  	_ =	shalt  }
0x6d: {  	_ =	shalt  }
0x6e: {  	_ =	shalt  }
0x6f: {  	_ =	shalt  }
0x70: {  	_ =	shalt  }
0x71: {  	_ =	shalt  }
0x72: {  	_ =	shalt  }
0x73: {  	_ =	shalt  }
0x74: {  	_ =	shalt  }
0x75: {  	_ =	shalt  }
0x76: {  	_ =	shalt  }
0x77: {  	_ =	shalt  }
0x78: {  	_ =	shalt  }
0x79: {  	_ =	shalt  }
0x7a: {  	_ =	shalt  }
0x7b: {  	_ =	shalt  }
0x7c: {  	_ =	shalt  }
0x7d: {  	_ =	shalt  }
0x7e: {  	_ =	shalt  }
0x7f: {  	_ =	shalt  }
0x80: {  	_ =	shalt  }
0x81: {  	_ =	shalt  }
0x82: {  	_ =	shalt  }
0x83: {  	_ =	shalt  }
0x84: {  	_ =	shalt  }
0x85: {  	_ =	shalt  }
0x86: {  	_ =	shalt  }
0x87: {  	_ =	shalt  }
.Lfunc_end0:
.L_simem_size_0:
called_computation_lowered:
.L_overlay_start_0:
0x88: {  	s2 =	sld [smem:$0x3FD9]  }
0x89: {  	s3 =	sld [smem:$0x3FFE];
	_ =	sdelay $0x1  }
0x8a: {  	s1 =	srdreg.scid  }
0x8b: {  	s0 =	sand.u32 $0x1, s1  }
0x8c: {  	s18 =	sshll.u32 s0, $0xA;
	s2 =	sadd.s32 s3, s2  }
0x8d: {  	s2 =	sadd.s32 s2, s18  }
0x8e: {  	[smem:$0x3FC7] =	sst s2  }
0x8f: {  	_ = 	snop  }
0x90: {  	s2 =	sld [smem:$0x3FC9]  }
0x91: {  	s19 =	sld [smem:$0x3FD0];
	(tm) =	ssettm $0x1  }
0x92: {  	s4 =	sld [smem:$0x3FFB];
	_ =	sdelay $0x3  }
0x93: {  	_ =	strace s4  }
0x94: {  	s4 =	sld [smem:$0x3FFC];
	_ =	sdelay $0x3  }
0x95: {  	_ =	strace s4  }
0x96: {  	s4 =	sld [smem:$0x3FFD];
	_ =	sdelay $0x3  }
0x97: {  	_ =	strace s4  }
0x98: {  	_ =	strace $0x8FFFFFFF  }
0x99: {  	s20 =	sld [smem:$0x3FDB];
	_ =	sdelay $0x1  }
0x9a: {  	s5 =	simm.s32 $_scs_section_size  }
0x9b: {  	s6 =	simm.s32 $_size__tile_overlayer_lowered;
	s7 =	simm.s32 $_tile_overlayer_lowered  }
0x9c: {  	s23 =	simm.s32 $0x1BFF;
	s22 =	sshll.u32 s7, $0x1;
	s4 =	sadd.s32 s5, s20  }
0x9d: {  	s8 =	simm.s32 $0x0;
	s21 =	sshll.u32 s6, $0x1;
	s6 =	sadd.s32 s22, s4  }
0x9e: {  	[timem:s8], [sflag:s23] =	dma.local [hbm:s6], s21  }
0x9f: {  	_ =	swait.ge [sflag:s23], s21  }
0xa0: {  	s5 =	ssub.s32 $0x0, s21;
	[sflag:s23] =	ssyncset.done $0x0  }
0xa1: {  	[sflag:s23] =	ssyncadd.s32 s5;
	_ =	sdelay $0x1  }
0xa2: {  	s24 =	simm.s32 $0x1B8B  }
0xa3: {  	_ =	swait.ge [sflag:s24], $0x1  }
0xa4: {  	[sflag:s24] =	ssyncset.done $0x0  }
0xa5: {  	s25 =	simm.s32 $0x1B8E;
	[sflag:s24] =	ssyncadd.s32 $0xFFFFFFFF  }
0xa6: {  	s26 =	simm.s32 $execute0_lowered;
	[smem:$0x3FD2] =	sst s25  }
0xa7: {  	s5 =	sshll.u32 s26, $0x1;
	_ =	strace $0x80000046;
	[dreg:$0x1] =	wrdreg $0xFFFFFFFF  }
0xa8: {  	s28 =	simm.s32 $_size_execute0_lowered;
	s4 =	sadd.s32 s4, s5;
	[dreg:$0x0] =	wrdreg $0x0  }
0xa9: {  	s5 =	sshll.u32 s28, $0x1;
	[dreg:$0x2] =	wrdreg s4  }
0xaa: {  	[dreg:$0x3] =	wrdreg s5  }
0xab: {  	[dreg:$0x4] =	wrdreg $0xC0  }
0xac: {  	_ =	task [dreg:s8], $0x5FFFF  }
0xad: {  	[dreg:$0x1] =	wrdreg $0xFFFFFFFF  }
0xae: {  	[dreg:$0x0] =	wrdreg $0x60  }
0xaf: {  	[dreg:$0x2] =	wrdreg s2  }
0xb0: {  	[dreg:$0x3] =	wrdreg s19  }
0xb1: {  	[dreg:$0x4] =	wrdreg $0x9  }
0xb2: {  	_ =	task.clear_ibuf [dreg:s8], $0x5FFFF;
	_ =	strace $0x90000046  }
0xb3: {  	s29 =	simm.s32 $0x9;
	_ =	strace $0x80000048  }
0xb4: {  	_ =	swait.ge [sflag:s29], $0x1  }
0xb5: {  	[sflag:s29] =	ssyncadd.s32 $0xFFFFFFFF  }
0xb6: {  	_ =	strace $0x90000048  }
0xb7: {  	_ =	sfence  }
0xb8: {  	s30 =	sld [smem:$0x0];
	_ =	sdelay $0x2  }
0xb9: {  	s31 =	sshll.u32 s1, $0xD;
	s1 =	sshrl.u32 s1, $0x2  }
0xba: {  	s3 =	sand.u32 $0x4000, s31;
	s1 =	sadd.s32 s1, s30  }
0xbb: {  	s0 =	sor.u32 s3, s0;
	s1 =	sshll.u32 s1, $0x11  }
0xbc: {  	s0 =	sor.u32 s1, s0  }
0xbd: {  	s0 =	sadd.s32 $0x8F2B, s0  }
0xbe: {  	[sflag:s0] =	ssyncadd.remote.s32 $0x1  }
0xbf: {  	_ =	sfence.sel $0xFFFF  }
0xc0: {  	[dreg:$0x0] =	wrdreg $0xFFFFFFFF;
	(pc) =	sbr.abs _section_cstart, $3  }
0xc1: {  	[dreg:$0x1] =	wrdreg $0xFFFFFFFF  }
0xc2: {  	_ =	task.clear_ibuf [dreg:s8], $0x2FFFF;
	_ =	strace $0x9FFFFFFF  }
0xc3: {  	(tm) =	ssettm $0x7FFFFFFF  }
tec
execute0_lowered:
.L_overlay_start_1:
0x0: {  	(tag) =	ssettag $0x1  }
0x1: {  	vm0 =	vcmask $0x300;
	v0 =	vimm.s32 $0x2EC3  }
0x2: {  	v1 =	vimm.s32 $0x5DB;
	vm1 =	vcmask $0x704;
	v0 =	vsel vm0, $0x2E80, v0  }
0x3: {  	v1 =	vsel vm0, $0x5D0, v1;
	vm0 =	vcmask $0xB08;
	v0 =	vsel vm1, $0x2E81, v0  }
0x4: {  	v1 =	vsel vm1, $0x5D1, v1;
	vm1 =	vcmask $0xF0C;
	v0 =	vsel vm0, $0x2E82, v0  }
0x5: {  	s0 =	rddreg [dreg:$0x0];
	s2 =	srdreg.scid;
	v1 =	vsel vm0, $0x5D2, v1;
	vm0 =	vcmask $0x1310;
	v0 =	vsel vm1, $0x2E83, v0  }
0x6: {  	s1 =	stileid.u32;
	s3 =	rddreg [dreg:$0x1];
	s15 =	simm.s32 $0x1000;
	v1 =	vsel vm1, $0x5D3, v1;
	vm1 =	vcmask $0x1714;
	v0 =	vsel vm0, $0x2E84, v0  }
0x7: {  	s16 =	simm.s32 $0x1800;
	s17 =	simm.s32 $0x2000;
	s18 =	simm.s32 $0x2800;
	v1 =	vsel vm0, $0x5D4, v1;
	vm0 =	vcmask $0x1B18;
	v0 =	vsel vm1, $0x2E85, v0  }
0x8: {  	s19 =	simm.s32 $0x3000;
	s20 =	simm.s32 $0x3800;
	s21 =	simm.s32 $0x1;
	v1 =	vsel vm1, $0x5D5, v1;
	vm1 =	vcmask $0x1F1C;
	v0 =	vsel vm0, $0x2E86, v0  }
0x9: {  	s22 =	simm.s32 $0x2;
	s5 =	sand.u32 $0x1, s2;
	s4 =	sshll.u32 s1, $0x1;
	v1 =	vsel vm0, $0x5D6, v1;
	vm0 =	vcmask $0x2320;
	v0 =	vsel vm1, $0x2E87, v0  }
0xa: {  	s2 =	rddreg [dreg:$0x2];
	s8 =	sadd.s32 $0x200, s0;
	s9 =	sadd.s32 $0x300, s0;
	v1 =	vsel vm1, $0x5D7, v1;
	vm1 =	vcmask $0x2724;
	v0 =	vsel vm0, $0x2EC0, v0  }
0xb: {  	s10 =	sadd.s32 $0x100, s3;
	s11 =	sadd.s32 $0x200, s3;
	s12 =	sadd.s32 $0x300, s3;
	v1 =	vsel vm0, $0x5D8, v1;
	vm0 =	vcmask $0x2B28;
	v0 =	vsel vm1, $0x2EC1, v0  }
.Ltmp0:
0xc: {  	s14 =	sor.u32 s5, s4;
	s4 =	simm.s32 $0x0;
	v3 =	vsel vm1, $0x5D9, v1;
	v1 =	vlaneseq.u32;
	v4 =	vsel vm0, $0x2EC2, v0;
	(pc) =	sbr.rel .LBB2_1-.Ltmp0, $4  }
0xd: {  	s5 =	ssub.s32 $0x2, s5;
	s6 =	smul.u32 $0x1800, s14;
	[smem:$0x7FF] =	sst s4;
	v0 =	vand.u32 $0x7, v1;
	v2 =	vshrl.u32 v1, $0x3;
	v1 =	vor.u32 $0x8, v1  }
0xe: {  	s7 =	sshrl.u32 s5, $0x1;
	p0 =	seq.s32 s14, $0x1F;
	s14 =	simm.s32 $0x800;
	v5 =	vperm.xlane v4, v0;
	v2 =	vmul.u32 $0x8, v2;
	v6 =	vperm.xlane v4, v1  }
0xf: {  	_ =	strace $0x80000047;
	s13 =	ssub.s32 s5, s7;
	s7 =	sadd.s32 $0x100, s0;
	v3 =	vsel vm0, $0x5DA, v3  }
0x10: {  	s5 =	sadd.s32 s0, s6;
	s6 =	sadd.s32 s3, s6;
	s13 =	smax.u32 s13, $0x1;
	vm0 =	vmmov $0xffff;
	v4 =	vadd.s32 v2, v5;
	v5 =	vadd.s32 v2, v6  }
.LBB2_3:
0x11: {  	_ =	sdelay $0x2  }
0x12: {  	[tilespmem:$0xC000] =	vst v3  }
0x13: {  	[tilespmem:s4], [sflag:$0x1] =	stream.indirect_vreg.gather [hbm4b:s0+s4], $0x80, v4, vm0, $0xb8;
	[tilespmem:$0xC080] =	vst v63  }
0x14: {  	_ = 	snop  }
0x15: {  	[tilespmem:s14], [sflag:$0x1] =	stream.indirect_vreg.gather [hbm4b:s7+s4], $0x80, v4, vm0, $0xb8;
	[tilespmem:$0xC080] =	vst v63  }
0x16: {  	_ = 	snop  }
0x17: {  	[tilespmem:s15], [sflag:$0x1] =	stream.indirect_vreg.gather [hbm4b:s8+s4], $0x80, v4, vm0, $0xb8;
	[tilespmem:$0xC080] =	vst v63  }
0x18: {  	_ = 	snop  }
0x19: {  	[tilespmem:s16], [sflag:$0x1] =	stream.indirect_vreg.gather [hbm4b:s9+s4], $0x80, v4, vm0, $0xb8;
	[tilespmem:$0xC080] =	vst v63  }
0x1a: {  	_ = 	snop  }
0x1b: {  	[tilespmem:s17], [sflag:$0x1] =	stream.indirect_vreg.gather [hbm4b:s0+s4], $0x80, v5, vm0, $0xb8;
	[tilespmem:$0xC080] =	vst v63  }
0x1c: {  	_ = 	snop  }
0x1d: {  	[tilespmem:s18], [sflag:$0x1] =	stream.indirect_vreg.gather [hbm4b:s7+s4], $0x80, v5, vm0, $0xb8;
	[tilespmem:$0xC080] =	vst v63  }
0x1e: {  	_ = 	snop  }
0x1f: {  	[tilespmem:s19], [sflag:$0x1] =	stream.indirect_vreg.gather [hbm4b:s8+s4], $0x80, v5, vm0, $0xb8;
	[tilespmem:$0xC080] =	vst v63  }
0x20: {  	_ = 	snop  }
0x21: {  	[tilespmem:s20], [sflag:$0x1] =	stream.indirect_vreg.gather [hbm4b:s9+s4], $0x80, v5, vm0, $0xb8;
	[tilespmem:$0xC080] =	vst v63  }
0x22: {  	_ =	swait.ge [sflag:s21], $0x4000  }
0x23: {  	[sflag:s21] =	ssyncset.done $0x0  }
0x24: {  	[sflag:s21] =	ssyncadd.s32 $0xFFFFC000  }
0x25: {  	v6 =	vld [tilespmem:$0xC000];
	_ =	sdelay $0x4  }
0x26: {  	v7 =	vshll.u32 v6, $0x3  }
0x27: {  	v6 =	vand.u32 $0x7, v6;
	v7 =	vand.u32 $0xFFFFFFC0, v7  }
0x28: {  	v6 =	vor.u32 v6, v7  }
0x29: {  	v7 =	vperm.xlane v6, v0;
	_ =	sdelay $0x1  }
0x2a: {  	v7 =	vadd.s32 v2, v7;
	_ =	sdelay $0x4  }
0x2b: {  	[hbm4b:s3+s4] =	stream.indirect_vreg.scatter [tilespmem:s4], [sflag:$0x1], $0x80, v7, vm0, $0xb8;
	[tilespmem:$0xC080] =	vst v63  }
0x2c: {  	v6 =	vperm.xlane v6, v1  }
0x2d: {  	[hbm4b:s10+s4] =	stream.indirect_vreg.scatter [tilespmem:s14], [sflag:$0x1], $0x80, v7, vm0, $0xb8;
	[tilespmem:$0xC080] =	vst v63  }
0x2e: {  	v6 =	vadd.s32 v2, v6  }
0x2f: {  	[hbm4b:s11+s4] =	stream.indirect_vreg.scatter [tilespmem:s15], [sflag:$0x1], $0x80, v7, vm0, $0xb8;
	[tilespmem:$0xC080] =	vst v63  }
0x30: {  	_ = 	snop  }
0x31: {  	[hbm4b:s12+s4] =	stream.indirect_vreg.scatter [tilespmem:s16], [sflag:$0x1], $0x80, v7, vm0, $0xb8;
	[tilespmem:$0xC080] =	vst v63  }
0x32: {  	_ = 	snop  }
0x33: {  	[hbm4b:s3+s4] =	stream.indirect_vreg.scatter [tilespmem:s17], [sflag:$0x1], $0x80, v6, vm0, $0xb8;
	[tilespmem:$0xC080] =	vst v63  }
0x34: {  	_ = 	snop  }
0x35: {  	[hbm4b:s10+s4] =	stream.indirect_vreg.scatter [tilespmem:s18], [sflag:$0x1], $0x80, v6, vm0, $0xb8;
	[tilespmem:$0xC080] =	vst v63  }
0x36: {  	_ = 	snop  }
0x37: {  	[hbm4b:s11+s4] =	stream.indirect_vreg.scatter [tilespmem:s19], [sflag:$0x1], $0x80, v6, vm0, $0xb8;
	[tilespmem:$0xC080] =	vst v63  }
0x38: {  	_ = 	snop  }
0x39: {  	[hbm4b:s12+s4] =	stream.indirect_vreg.scatter [tilespmem:s20], [sflag:$0x1], $0x80, v6, vm0, $0xb8;
	[tilespmem:$0xC080] =	vst v63  }
0x3a: {  	_ =	swait.ge [sflag:s21], $0x4000  }
0x3b: {  	[sflag:s21] =	ssyncset.done $0x0  }
0x3c: {  	[sflag:s21] =	ssyncadd.s32 $0xFFFFC000  }
.LBB2_4:
0x3d: {  	s13 =	sadd.s32 $0xFFFFFFFF, s13  }
0x3e: {  	p1 =	sne.s32 s13, $0x0  }
.Ltmp1:
0x3f: {  	_ = 	snop;
	(pc) =	sbr.rel @!p1 .LBB2_5-.Ltmp1, $1  }
0x40: {  	_ =	sdelay $0x3  }
.LBB2_1:
.Ltmp2:
0x41: {  	(pc) =	sbr.rel @p0 .LBB2_3-.Ltmp2, $1  }
0x42: {  	_ =	sdelay $0x3  }
0x43: {  	[tilespmem:s4], [sflag:$0x2] =	stream.linear.gather [hbm4b:s5+s4], $0xC000, $0x38;
	[tilespmem:$0xC080] =	vst v63  }
0x44: {  	_ =	swait.ge [sflag:s22], $0xC000  }
0x45: {  	[sflag:s22] =	ssyncset.done $0x0  }
.Ltmp3:
0x46: {  	[sflag:s22] =	ssyncadd.s32 $0xFFFF4000;
	(pc) =	sbr.rel .LBB2_4-.Ltmp3, $4  }
0x47: {  	[hbm4b:s6+s4] =	stream.linear.scatter [tilespmem:s4], [sflag:$0x2], $0xC000, $0x38;
	[tilespmem:$0xC080] =	vst v63  }
0x48: {  	_ =	swait.ge [sflag:s22], $0xC000  }
0x49: {  	[sflag:s22] =	ssyncset.done $0x0  }
0x4a: {  	[sflag:s22] =	ssyncadd.s32 $0xFFFF4000  }
.LBB2_5:
0x4b: {  	_ =	sfence.sel $0x180000  }
0x4c: {  	[bflag:$0x0] =	sbarrier.arrive $0xFFFF  }
0x4d: {  	p0 =	sne.s32 s1, $0x0;
	_ =	strace $0x90000047  }
0x4e: {  	s0 =	sadd.s32 @!p0 $0x100000, s2;
	[bflag:$0x2] =	sbarrier.arrive $0xFFFF  }
0x4f: {  	[sflag:s0] =	ssyncadd.tile.s32 @!p0 $0x1;
	_ =	shalt  }
.Lfunc_end2:
_tile_overlayer_lowered:
.L_overlay_start_2:
0x50: {  	(tag) =	ssettag $0x2  }
0x51: {  	s0 =	rddreg [dreg:$0x0];
	s2 =	stileid.u32  }
0x52: {  	s1 =	rddreg [dreg:$0x1];
	p0 =	sne.s32 s2, $0x0  }
0x53: {  	s3 =	rddreg [dreg:$0x2];
	[bflag:$0x3] =	sbarrier.arrive $0xFFFF;
	s2 =	simm.s32 @!p0 $0x1C02  }
0x54: {  	[timem:s3], [sflag:s2] =	dma.local @!p0 [hbm:s0], s1  }
0x55: {  	s0 =	simm.s32 @!p0 $0x2  }
0x56: {  	_ =	swait.ge @!p0 [sflag:s0], s1  }
0x57: {  	s1 =	ssub.s32 @!p0 $0x0, s1;
	[sflag:s0] =	ssyncset.done @!p0 $0x0  }
0x58: {  	[sflag:s0] =	ssyncadd.s32 @!p0 s1  }
0x59: {  	[bflag:$0x3] =	sbarrier.arrive $0xFFFF  }
0x5a: {  	_ =	shalt  }

</sc_bundles>
